<compile_context>
chip_gen: v7x
topology: tpu7x:2x2x1
jax: 0.10.2.dev20260603
libtpu: 0.0.44.dev20260713+nightly
codegen_flags: <defaults>
</compile_context>

<pallas_src>
import functools

import jax
import jax.numpy as jnp
from jax import lax
from jax.experimental import pallas as pl
from jax.experimental.pallas import tpu as pltpu
from jax.experimental.pallas import tpu_sc as plsc

NC = 2
NS = 16
NW = NC * NS
CHUNK = 80


def _linear_body(x_ref, w_ref, b_ref, h_ref):
    h_ref[...] = (
        lax.dot_general(
            x_ref[...], w_ref[...], (((1,), (1,)), ((), ())),
            preferred_element_type=jnp.float32,
        )
        + b_ref[...]
    )


def _combine_body(s_ref, c_ref, o_ref):
    cnt = jnp.maximum(c_ref[0] + c_ref[1], 1.0)
    o_ref[...] = jnp.maximum((s_ref[0] + s_ref[1]) / cnt, 0.0)


NBUF = 2


def _make_scatter(n_pad, epw, d):
    nchunk = epw // CHUNK
    rows_pw = n_pad // NS
    assert rows_pw % 8 == 0 and nchunk % 2 == 1
    mesh = plsc.VectorSubcoreMesh(core_axis_name="c", subcore_axis_name="s")

    @functools.partial(
        pl.kernel,
        out_type=[
            jax.ShapeDtypeStruct((NC, n_pad, d), jnp.float32),
            jax.ShapeDtypeStruct((NC * n_pad,), jnp.float32),
        ],
        mesh=mesh,
        scratch_types=[
            *[pltpu.VMEM((CHUNK,), jnp.int32) for _ in range(NBUF)],
            *[pltpu.VMEM((CHUNK,), jnp.int32) for _ in range(NBUF)],
            *[pltpu.VMEM((CHUNK, d), jnp.float32) for _ in range(NBUF)],
            pltpu.VMEM((CHUNK,), jnp.float32),
            pltpu.VMEM((n_pad // NS,), jnp.float32),
            pltpu.VMEM_SHARED((n_pad, d), jnp.float32),
            pltpu.VMEM_SHARED((n_pad,), jnp.float32),
            *[pltpu.SemaphoreType.DMA for _ in range(NBUF)],
        ],
    )
    def scatter(h_hbm, src_hbm, dst_hbm, zrow_hbm, zcnt_hbm, ones_hbm,
                acc_out, cnt_out, *bufs):
        srcs = bufs[0:NBUF]
        dsts = bufs[NBUF:2 * NBUF]
        rows = bufs[2 * NBUF:3 * NBUF]
        ones_v, cnt_v, acc_sh, cnt_sh = bufs[3 * NBUF:3 * NBUF + 4]
        sems = bufs[3 * NBUF + 4:]
        c = lax.axis_index("c")
        s = lax.axis_index("s")
        wid = s * NC + c

        roff = pl.multiple_of(s * rows_pw, 8)
        pltpu.sync_copy(zrow_hbm, acc_sh.at[pl.ds(roff, rows_pw)])
        pltpu.sync_copy(zcnt_hbm, cnt_v)
        pltpu.sync_copy(cnt_v, cnt_sh.at[pl.ds(roff, rows_pw)])
        pltpu.sync_copy(ones_hbm, ones_v)
        plsc.subcore_barrier()

        base = wid * epw

        def fire(j, b):
            off = pl.multiple_of(base + j * CHUNK, 8)
            pltpu.sync_copy(src_hbm.at[pl.ds(off, CHUNK)], srcs[b])
            pltpu.sync_copy(dst_hbm.at[pl.ds(off, CHUNK)], dsts[b])
            pltpu.async_copy(h_hbm.at[srcs[b]], rows[b], sems[b])

        def wait(b):
            pltpu.make_async_copy(h_hbm.at[srcs[b]], rows[b], sems[b]).wait()

        def scat(b):
            pltpu.sync_copy(rows[b], acc_sh.at[dsts[b]], add=True)
            pltpu.sync_copy(ones_v, cnt_sh.at[dsts[b]], add=True)

        fire(0, 0)

        def body(g, carry):
            j = g * 2
            fire(j + 1, 1)
            wait(0)
            scat(0)
            fire(jnp.minimum(j + 2, nchunk - 1), 0)
            wait(1)
            scat(1)
            return carry

        lax.fori_loop(0, nchunk // 2, body, 0)
        wait(0)
        scat(0)
        plsc.subcore_barrier()

        pltpu.sync_copy(acc_sh.at[pl.ds(roff, rows_pw)],
                        acc_out.at[c, pl.ds(roff, rows_pw)])
        coff = pl.multiple_of(c * n_pad + roff, 8)
        pltpu.sync_copy(cnt_sh.at[pl.ds(roff, rows_pw)], cnt_v)
        pltpu.sync_copy(cnt_v, cnt_out.at[pl.ds(coff, rows_pw)])

    return scatter


def kernel(x, edge_index, W, b):
    n, d = x.shape
    e = edge_index.shape[1]
    assert d == 128

    n_pad = (n + NS * 8 - 1) // (NS * 8) * (NS * 8)
    blk = 1000
    assert n % blk == 0

    h = pl.pallas_call(
        _linear_body,
        grid=(n // blk,),
        in_specs=[
            pl.BlockSpec((blk, d), lambda i: (i, 0)),
            pl.BlockSpec((d, d), lambda i: (0, 0)),
            pl.BlockSpec((1, d), lambda i: (0, 0)),
        ],
        out_specs=pl.BlockSpec((blk, d), lambda i: (i, 0)),
        out_shape=jax.ShapeDtypeStruct((n, d), jnp.float32),
    )(x, W, b.reshape(1, d))

    assert e % (NW * CHUNK) == 0
    epw = e // NW
    src = edge_index[0]
    dst = edge_index[1]
    zrow = jnp.zeros((n_pad // NS, d), jnp.float32)
    zcnt = jnp.zeros((n_pad // NS,), jnp.float32)
    ones = jnp.ones((CHUNK,), jnp.float32)
    acc, cnt = _make_scatter(n_pad, epw, d)(h, src, dst, zrow, zcnt, ones)

    cnt_r = cnt.reshape(NC, n_pad, 1)
    out = pl.pallas_call(
        _combine_body,
        grid=(n // blk,),
        in_specs=[
            pl.BlockSpec((NC, blk, d), lambda i: (0, i, 0)),
            pl.BlockSpec((NC, blk, 1), lambda i: (0, i, 0)),
        ],
        out_specs=pl.BlockSpec((blk, d), lambda i: (i, 0)),
        out_shape=jax.ShapeDtypeStruct((n, d), jnp.float32),
    )(acc, cnt_r)
    return out

# --- scband reference (transcript-rebuilt; emitter-appended) ---
"""Pipeline reference for scband-gcnlayer-19524921327986 (READ-ONLY COPY).

The authoritative reference and input builder live on the scoring server;
editing this copy changes nothing except your own understanding.
"""

import jax, jax.numpy as jnp
import numpy as np

N, E, D = 10000, 320000, 128

def setup_inputs(seed: int = 0) -> dict:
    key = jax.random.key(seed)
    k1, k2, k3, k4 = jax.random.split(key, 4)
    x = jax.random.normal(k1, (N, D), dtype=jnp.float32)
    edge_index = jax.random.randint(k2, (2, E), 0, N).astype(jnp.int32)
    W = jax.random.normal(k3, (D, D), dtype=jnp.float32) * (1.0 / np.sqrt(D))
    b = jax.random.normal(k4, (D,), dtype=jnp.float32) * 0.01
    return {"x": x, "edge_index": edge_index, "W": W, "b": b}

def reference(x, edge_index, W, b):
    # h = Linear(x)
    h = x @ W.T + b
    src = edge_index[0]
    dst = edge_index[1]
    # message passing: copy_u then mean at destination
    msg = jnp.take(h, src, axis=0)
    summed = jax.ops.segment_sum(msg, dst, num_segments=N)
    cnt = jax.ops.segment_sum(jnp.ones((E,), dtype=x.dtype), dst, num_segments=N)
    agg = summed / jnp.maximum(cnt, 1.0)[:, None]  # nodes with no in-edges -> 0 (matches DGL mean)
    return jax.nn.relu(agg)

if __name__ == "__main__":
    import jax
    _d = setup_inputs()
    print(jax.jit(kernel)(*tuple(_d.values())))

</pallas_src>

<mosaic_0001>
#map = affine_map<(d0, d1) -> (0, 0)>
#map1 = affine_map<(d0, d1) -> (0)>
#map2 = affine_map<(d0, d1) -> (0, 0, 0)>
module attributes {stable_mosaic.version = 14 : i64} {
  func.func @scatter(%arg0: i32, %arg1: i32, %arg2: memref<10000x128xf32, #tpu.memory_space<hbm>>, %arg3: memref<320000xi32, #tpu.memory_space<hbm>>, %arg4: memref<320000xi32, #tpu.memory_space<hbm>>, %arg5: memref<632x128xf32, #tpu.memory_space<hbm>>, %arg6: memref<632xf32, #tpu.memory_space<hbm>>, %arg7: memref<80xf32, #tpu.memory_space<hbm>>, %arg8: memref<2x10112x128xf32, #tpu.memory_space<hbm>>, %arg9: memref<20224xf32, #tpu.memory_space<hbm>>, %arg10: memref<80xi32, #tpu.memory_space<vmem>>, %arg11: memref<80xi32, #tpu.memory_space<vmem>>, %arg12: memref<80xi32, #tpu.memory_space<vmem>>, %arg13: memref<80xi32, #tpu.memory_space<vmem>>, %arg14: memref<80x128xf32, #tpu.memory_space<vmem>>, %arg15: memref<80x128xf32, #tpu.memory_space<vmem>>, %arg16: memref<80xf32, #tpu.memory_space<vmem>>, %arg17: memref<632xf32, #tpu.memory_space<vmem>>, %arg18: memref<10112x128xf32, #tpu.memory_space<vmem_shared>>, %arg19: memref<10112xf32, #tpu.memory_space<vmem_shared>>, %arg20: memref<!tpu.dma_semaphore, #tpu.memory_space<semaphore_mem>>, %arg21: memref<!tpu.dma_semaphore, #tpu.memory_space<semaphore_mem>>) attributes {dimension_semantics = [#tpu.dimension_semantics<core_parallel>, #tpu.dimension_semantics<subcore_parallel>], iteration_bounds = array<i64: 2, 16>, scalar_prefetch = 0 : i64, scratch_operands = 12 : i64, tpu.core_type = #tpu.core_type<sc_vector_subcore>, window_params = [{transform_indices = #map}, {transform_indices = #map1}, {transform_indices = #map1}, {transform_indices = #map}, {transform_indices = #map1}, {transform_indices = #map1}, {transform_indices = #map2}, {transform_indices = #map1}]} {
    %mul3A = arith.constant 2 : i32
    %mul3A_0 = arith.muli %arg1, %mul3A : i32
    %add3A = arith.addi %mul3A_0, %arg0 : i32
    %mul3A_1 = arith.constant 632 : i32
    %mul3A_2 = arith.muli %arg1, %mul3A_1 : i32
    %multiple_of3A = tpu.assume_multiple %mul3A_2, 8 : i32
    "tpu.region"() ({
      %run_scoped3A = tpu.sem_alloc : memref<!tpu.dma_semaphore, #tpu.memory_space<semaphore_mem>>
      %dma_start3A_22 = arith.constant 0 : i32
      %dma_start3A_23 = tpu.memref_slice %arg18[%multiple_of3A, %dma_start3A_22] : memref<10112x128xf32, #tpu.memory_space<vmem_shared>> -> memref<632x128xf32, #tpu.memory_space<vmem_shared>>
      tpu.enqueue_dma source(%arg5 : memref<632x128xf32, #tpu.memory_space<hbm>>) target(%dma_start3A_23 : memref<632x128xf32, #tpu.memory_space<vmem_shared>>) target_semaphore(%run_scoped3A : memref<!tpu.dma_semaphore, #tpu.memory_space<semaphore_mem>>)
      %dma_wait3A_24 = arith.constant 0 : i32
      %dma_wait3A_25 = tpu.memref_slice %arg18[%multiple_of3A, %dma_wait3A_24] : memref<10112x128xf32, #tpu.memory_space<vmem_shared>> -> memref<632x128xf32, #tpu.memory_space<vmem_shared>>
      tpu.wait_dma2 semaphore(%run_scoped3A : memref<!tpu.dma_semaphore, #tpu.memory_space<semaphore_mem>>) src(%arg5 : memref<632x128xf32, #tpu.memory_space<hbm>>) dst(%dma_wait3A_25 : memref<632x128xf32, #tpu.memory_space<vmem_shared>>)
      tpu.yield
    }) : () -> ()
    "tpu.region"() ({
      %run_scoped3A = tpu.sem_alloc : memref<!tpu.dma_semaphore, #tpu.memory_space<semaphore_mem>>
      tpu.enqueue_dma source(%arg6 : memref<632xf32, #tpu.memory_space<hbm>>) target(%arg17 : memref<632xf32, #tpu.memory_space<vmem>>) target_semaphore(%run_scoped3A : memref<!tpu.dma_semaphore, #tpu.memory_space<semaphore_mem>>)
      tpu.wait_dma2 semaphore(%run_scoped3A : memref<!tpu.dma_semaphore, #tpu.memory_space<semaphore_mem>>) src(%arg6 : memref<632xf32, #tpu.memory_space<hbm>>) dst(%arg17 : memref<632xf32, #tpu.memory_space<vmem>>)
      tpu.yield
    }) : () -> ()
    "tpu.region"() ({
      %run_scoped3A = tpu.sem_alloc : memref<!tpu.dma_semaphore, #tpu.memory_space<semaphore_mem>>
      %dma_start3A_22 = tpu.memref_slice %arg19[%multiple_of3A] : memref<10112xf32, #tpu.memory_space<vmem_shared>> -> memref<632xf32, #tpu.memory_space<vmem_shared>>
      %dma_start3A_23 = tpu.memref_slice %arg19[%multiple_of3A] : memref<10112xf32, #tpu.memory_space<vmem_shared>> -> memref<632xf32, #tpu.memory_space<vmem_shared>>
      tpu.enqueue_dma source(%arg17 : memref<632xf32, #tpu.memory_space<vmem>>) target(%dma_start3A_23 : memref<632xf32, #tpu.memory_space<vmem_shared>>) target_semaphore(%run_scoped3A : memref<!tpu.dma_semaphore, #tpu.memory_space<semaphore_mem>>)
      %dma_wait3A_24 = tpu.memref_slice %arg19[%multiple_of3A] : memref<10112xf32, #tpu.memory_space<vmem_shared>> -> memref<632xf32, #tpu.memory_space<vmem_shared>>
      %dma_wait3A_25 = tpu.memref_slice %arg19[%multiple_of3A] : memref<10112xf32, #tpu.memory_space<vmem_shared>> -> memref<632xf32, #tpu.memory_space<vmem_shared>>
      tpu.wait_dma2 semaphore(%run_scoped3A : memref<!tpu.dma_semaphore, #tpu.memory_space<semaphore_mem>>) src(%arg17 : memref<632xf32, #tpu.memory_space<vmem>>) dst(%dma_wait3A_25 : memref<632xf32, #tpu.memory_space<vmem_shared>>)
      tpu.yield
    }) : () -> ()
    "tpu.region"() ({
      %run_scoped3A = tpu.sem_alloc : memref<!tpu.dma_semaphore, #tpu.memory_space<semaphore_mem>>
      tpu.enqueue_dma source(%arg7 : memref<80xf32, #tpu.memory_space<hbm>>) target(%arg16 : memref<80xf32, #tpu.memory_space<vmem>>) target_semaphore(%run_scoped3A : memref<!tpu.dma_semaphore, #tpu.memory_space<semaphore_mem>>)
      tpu.wait_dma2 semaphore(%run_scoped3A : memref<!tpu.dma_semaphore, #tpu.memory_space<semaphore_mem>>) src(%arg7 : memref<80xf32, #tpu.memory_space<hbm>>) dst(%arg16 : memref<80xf32, #tpu.memory_space<vmem>>)
      tpu.yield
    }) : () -> ()
    %barrier3A = arith.constant 0 : index
    tpu.barrier barrier_id(%barrier3A)
    %mul3A_3 = arith.constant 10000 : i32
    %mul3A_4 = arith.muli %add3A, %mul3A_3 : i32
    %add3A_5 = arith.constant 0 : i32
    %add3A_6 = arith.addi %mul3A_4, %add3A_5 : i32
    %multiple_of3A_7 = tpu.assume_multiple %add3A_6, 8 : i32
    "tpu.region"() ({
      %run_scoped3A = tpu.sem_alloc : memref<!tpu.dma_semaphore, #tpu.memory_space<semaphore_mem>>
      %dma_start3A_22 = tpu.memref_slice %arg3[%multiple_of3A_7] : memref<320000xi32, #tpu.memory_space<hbm>> -> memref<80xi32, #tpu.memory_space<hbm>>
      %dma_start3A_23 = tpu.memref_slice %arg3[%multiple_of3A_7] : memref<320000xi32, #tpu.memory_space<hbm>> -> memref<80xi32, #tpu.memory_space<hbm>>
      tpu.enqueue_dma source(%dma_start3A_23 : memref<80xi32, #tpu.memory_space<hbm>>) target(%arg10 : memref<80xi32, #tpu.memory_space<vmem>>) target_semaphore(%run_scoped3A : memref<!tpu.dma_semaphore, #tpu.memory_space<semaphore_mem>>)
      %dma_wait3A_24 = tpu.memref_slice %arg3[%multiple_of3A_7] : memref<320000xi32, #tpu.memory_space<hbm>> -> memref<80xi32, #tpu.memory_space<hbm>>
      %dma_wait3A_25 = tpu.memref_slice %arg3[%multiple_of3A_7] : memref<320000xi32, #tpu.memory_space<hbm>> -> memref<80xi32, #tpu.memory_space<hbm>>
      tpu.wait_dma2 semaphore(%run_scoped3A : memref<!tpu.dma_semaphore, #tpu.memory_space<semaphore_mem>>) src(%dma_wait3A_25 : memref<80xi32, #tpu.memory_space<hbm>>) dst(%arg10 : memref<80xi32, #tpu.memory_space<vmem>>)
      tpu.yield
    }) : () -> ()
    "tpu.region"() ({
      %run_scoped3A = tpu.sem_alloc : memref<!tpu.dma_semaphore, #tpu.memory_space<semaphore_mem>>
      %dma_start3A_22 = tpu.memref_slice %arg4[%multiple_of3A_7] : memref<320000xi32, #tpu.memory_space<hbm>> -> memref<80xi32, #tpu.memory_space<hbm>>
      %dma_start3A_23 = tpu.memref_slice %arg4[%multiple_of3A_7] : memref<320000xi32, #tpu.memory_space<hbm>> -> memref<80xi32, #tpu.memory_space<hbm>>
      tpu.enqueue_dma source(%dma_start3A_23 : memref<80xi32, #tpu.memory_space<hbm>>) target(%arg12 : memref<80xi32, #tpu.memory_space<vmem>>) target_semaphore(%run_scoped3A : memref<!tpu.dma_semaphore, #tpu.memory_space<semaphore_mem>>)
      %dma_wait3A_24 = tpu.memref_slice %arg4[%multiple_of3A_7] : memref<320000xi32, #tpu.memory_space<hbm>> -> memref<80xi32, #tpu.memory_space<hbm>>
      %dma_wait3A_25 = tpu.memref_slice %arg4[%multiple_of3A_7] : memref<320000xi32, #tpu.memory_space<hbm>> -> memref<80xi32, #tpu.memory_space<hbm>>
      tpu.wait_dma2 semaphore(%run_scoped3A : memref<!tpu.dma_semaphore, #tpu.memory_space<semaphore_mem>>) src(%dma_wait3A_25 : memref<80xi32, #tpu.memory_space<hbm>>) dst(%arg12 : memref<80xi32, #tpu.memory_space<vmem>>)
      tpu.yield
    }) : () -> ()
    %dma_start3A = arith.constant 0 : i32
    %dma_start3A_8 = arith.constant 0 : i32
    %dma_start3A_9 = tpu.memref_slice %arg2[%dma_start3A, %dma_start3A_8] : memref<10000x128xf32, #tpu.memory_space<hbm>> -> memref<10000x128xf32, #tpu.memory_space<hbm>>
    tpu.enqueue_indirect_dma source(%dma_start3A_9 : memref<10000x128xf32, #tpu.memory_space<hbm>>) target(%arg14 : memref<80x128xf32, #tpu.memory_space<vmem>>) offsets(%arg10 : memref<80xi32, #tpu.memory_space<vmem>>) semaphore(%arg20 : memref<!tpu.dma_semaphore, #tpu.memory_space<semaphore_mem>>)
    %scan3A = arith.constant 0 : i32
    %scan3A_10 = arith.constant 0 : i32
    %scan3A_11 = arith.constant 62 : i32
    %scan3A_12 = arith.addi %scan3A_10, %scan3A_11 : i32
    %scan3A_13 = arith.constant 1 : i32
    scf.for %scan3A_22 = %scan3A_10 to %scan3A_12 step %scan3A_13  : i32 {
      %mul3A_23 = arith.constant 2 : i32
      %mul3A_24 = arith.muli %scan3A_22, %mul3A_23 : i32
      %add3A_25 = arith.constant 1 : i32
      %add3A_26 = arith.addi %mul3A_24, %add3A_25 : i32
      %mul3A_27 = arith.constant 80 : i32
      %mul3A_28 = arith.muli %add3A_26, %mul3A_27 : i32
      %add3A_29 = arith.addi %mul3A_4, %mul3A_28 : i32
      %multiple_of3A_30 = tpu.assume_multiple %add3A_29, 8 : i32
      "tpu.region"() ({
        %run_scoped3A = tpu.sem_alloc : memref<!tpu.dma_semaphore, #tpu.memory_space<semaphore_mem>>
        %dma_start3A_50 = tpu.memref_slice %arg3[%multiple_of3A_30] : memref<320000xi32, #tpu.memory_space<hbm>> -> memref<80xi32, #tpu.memory_space<hbm>>
        %dma_start3A_51 = tpu.memref_slice %arg3[%multiple_of3A_30] : memref<320000xi32, #tpu.memory_space<hbm>> -> memref<80xi32, #tpu.memory_space<hbm>>
        tpu.enqueue_dma source(%dma_start3A_51 : memref<80xi32, #tpu.memory_space<hbm>>) target(%arg11 : memref<80xi32, #tpu.memory_space<vmem>>) target_semaphore(%run_scoped3A : memref<!tpu.dma_semaphore, #tpu.memory_space<semaphore_mem>>)
        %dma_wait3A_52 = tpu.memref_slice %arg3[%multiple_of3A_30] : memref<320000xi32, #tpu.memory_space<hbm>> -> memref<80xi32, #tpu.memory_space<hbm>>
        %dma_wait3A_53 = tpu.memref_slice %arg3[%multiple_of3A_30] : memref<320000xi32, #tpu.memory_space<hbm>> -> memref<80xi32, #tpu.memory_space<hbm>>
        tpu.wait_dma2 semaphore(%run_scoped3A : memref<!tpu.dma_semaphore, #tpu.memory_space<semaphore_mem>>) src(%dma_wait3A_53 : memref<80xi32, #tpu.memory_space<hbm>>) dst(%arg11 : memref<80xi32, #tpu.memory_space<vmem>>)
        tpu.yield
      }) : () -> ()
      "tpu.region"() ({
        %run_scoped3A = tpu.sem_alloc : memref<!tpu.dma_semaphore, #tpu.memory_space<semaphore_mem>>
        %dma_start3A_50 = tpu.memref_slice %arg4[%multiple_of3A_30] : memref<320000xi32, #tpu.memory_space<hbm>> -> memref<80xi32, #tpu.memory_space<hbm>>
        %dma_start3A_51 = tpu.memref_slice %arg4[%multiple_of3A_30] : memref<320000xi32, #tpu.memory_space<hbm>> -> memref<80xi32, #tpu.memory_space<hbm>>
        tpu.enqueue_dma source(%dma_start3A_51 : memref<80xi32, #tpu.memory_space<hbm>>) target(%arg13 : memref<80xi32, #tpu.memory_space<vmem>>) target_semaphore(%run_scoped3A : memref<!tpu.dma_semaphore, #tpu.memory_space<semaphore_mem>>)
        %dma_wait3A_52 = tpu.memref_slice %arg4[%multiple_of3A_30] : memref<320000xi32, #tpu.memory_space<hbm>> -> memref<80xi32, #tpu.memory_space<hbm>>
        %dma_wait3A_53 = tpu.memref_slice %arg4[%multiple_of3A_30] : memref<320000xi32, #tpu.memory_space<hbm>> -> memref<80xi32, #tpu.memory_space<hbm>>
        tpu.wait_dma2 semaphore(%run_scoped3A : memref<!tpu.dma_semaphore, #tpu.memory_space<semaphore_mem>>) src(%dma_wait3A_53 : memref<80xi32, #tpu.memory_space<hbm>>) dst(%arg13 : memref<80xi32, #tpu.memory_space<vmem>>)
        tpu.yield
      }) : () -> ()
      %dma_start3A_31 = arith.constant 0 : i32
      %dma_start3A_32 = arith.constant 0 : i32
      %dma_start3A_33 = tpu.memref_slice %arg2[%dma_start3A_31, %dma_start3A_32] : memref<10000x128xf32, #tpu.memory_space<hbm>> -> memref<10000x128xf32, #tpu.memory_space<hbm>>
      tpu.enqueue_indirect_dma source(%dma_start3A_33 : memref<10000x128xf32, #tpu.memory_space<hbm>>) target(%arg15 : memref<80x128xf32, #tpu.memory_space<vmem>>) offsets(%arg11 : memref<80xi32, #tpu.memory_space<vmem>>) semaphore(%arg21 : memref<!tpu.dma_semaphore, #tpu.memory_space<semaphore_mem>>)
      %dma_wait3A_34 = arith.constant 0 : i32
      %dma_wait3A_35 = arith.constant 0 : i32
      %dma_wait3A_36 = tpu.memref_slice %arg2[%dma_wait3A_34, %dma_wait3A_35] : memref<10000x128xf32, #tpu.memory_space<hbm>> -> memref<10000x128xf32, #tpu.memory_space<hbm>>
      tpu.wait_indirect_dma semaphore(%arg20 : memref<!tpu.dma_semaphore, #tpu.memory_space<semaphore_mem>>) src(%dma_wait3A_36 : memref<10000x128xf32, #tpu.memory_space<hbm>>) dst(%arg14 : memref<80x128xf32, #tpu.memory_space<vmem>>)
      "tpu.region"() ({
        %run_scoped3A = tpu.sem_alloc : memref<!tpu.dma_semaphore, #tpu.memory_space<semaphore_mem>>
        %dma_start3A_50 = arith.constant 0 : i32
        %dma_start3A_51 = arith.constant 0 : i32
        %dma_start3A_52 = tpu.memref_slice %arg18[%dma_start3A_50, %dma_start3A_51] : memref<10112x128xf32, #tpu.memory_space<vmem_shared>> -> memref<10112x128xf32, #tpu.memory_space<vmem_shared>>
        tpu.enqueue_indirect_dma source(%arg14 : memref<80x128xf32, #tpu.memory_space<vmem>>) target(%dma_start3A_52 : memref<10112x128xf32, #tpu.memory_space<vmem_shared>>) offsets(%arg12 : memref<80xi32, #tpu.memory_space<vmem>>) semaphore(%run_scoped3A : memref<!tpu.dma_semaphore, #tpu.memory_space<semaphore_mem>>) {add = true}
        %dma_wait3A_53 = arith.constant 0 : i32
        %dma_wait3A_54 = arith.constant 0 : i32
        %dma_wait3A_55 = tpu.memref_slice %arg18[%dma_wait3A_53, %dma_wait3A_54] : memref<10112x128xf32, #tpu.memory_space<vmem_shared>> -> memref<10112x128xf32, #tpu.memory_space<vmem_shared>>
        tpu.wait_indirect_dma semaphore(%run_scoped3A : memref<!tpu.dma_semaphore, #tpu.memory_space<semaphore_mem>>) src(%arg14 : memref<80x128xf32, #tpu.memory_space<vmem>>) dst(%dma_wait3A_55 : memref<10112x128xf32, #tpu.memory_space<vmem_shared>>)
        tpu.yield
      }) : () -> ()
      "tpu.region"() ({
        %run_scoped3A = tpu.sem_alloc : memref<!tpu.dma_semaphore, #tpu.memory_space<semaphore_mem>>
        %dma_start3A_50 = arith.constant 0 : i32
        %dma_start3A_51 = tpu.memref_slice %arg19[%dma_start3A_50] : memref<10112xf32, #tpu.memory_space<vmem_shared>> -> memref<10112xf32, #tpu.memory_space<vmem_shared>>
        tpu.enqueue_indirect_dma source(%arg16 : memref<80xf32, #tpu.memory_space<vmem>>) target(%dma_start3A_51 : memref<10112xf32, #tpu.memory_space<vmem_shared>>) offsets(%arg12 : memref<80xi32, #tpu.memory_space<vmem>>) semaphore(%run_scoped3A : memref<!tpu.dma_semaphore, #tpu.memory_space<semaphore_mem>>) {add = true}
        %dma_wait3A_52 = arith.constant 0 : i32
        %dma_wait3A_53 = tpu.memref_slice %arg19[%dma_wait3A_52] : memref<10112xf32, #tpu.memory_space<vmem_shared>> -> memref<10112xf32, #tpu.memory_space<vmem_shared>>
        tpu.wait_indirect_dma semaphore(%run_scoped3A : memref<!tpu.dma_semaphore, #tpu.memory_space<semaphore_mem>>) src(%arg16 : memref<80xf32, #tpu.memory_space<vmem>>) dst(%dma_wait3A_53 : memref<10112xf32, #tpu.memory_space<vmem_shared>>)
        tpu.yield
      }) : () -> ()
      %add3A_37 = arith.constant 2 : i32
      %add3A_38 = arith.addi %mul3A_24, %add3A_37 : i32
      %min3A = arith.constant 124 : i32
      %min3A_39 = arith.minsi %add3A_38, %min3A : i32
      %mul3A_40 = arith.constant 80 : i32
      %mul3A_41 = arith.muli %min3A_39, %mul3A_40 : i32
      %add3A_42 = arith.addi %mul3A_4, %mul3A_41 : i32
      %multiple_of3A_43 = tpu.assume_multiple %add3A_42, 8 : i32
      "tpu.region"() ({
        %run_scoped3A = tpu.sem_alloc : memref<!tpu.dma_semaphore, #tpu.memory_space<semaphore_mem>>
        %dma_start3A_50 = tpu.memref_slice %arg3[%multiple_of3A_43] : memref<320000xi32, #tpu.memory_space<hbm>> -> memref<80xi32, #tpu.memory_space<hbm>>
        %dma_start3A_51 = tpu.memref_slice %arg3[%multiple_of3A_43] : memref<320000xi32, #tpu.memory_space<hbm>> -> memref<80xi32, #tpu.memory_space<hbm>>
        tpu.enqueue_dma source(%dma_start3A_51 : memref<80xi32, #tpu.memory_space<hbm>>) target(%arg10 : memref<80xi32, #tpu.memory_space<vmem>>) target_semaphore(%run_scoped3A : memref<!tpu.dma_semaphore, #tpu.memory_space<semaphore_mem>>)
        %dma_wait3A_52 = tpu.memref_slice %arg3[%multiple_of3A_43] : memref<320000xi32, #tpu.memory_space<hbm>> -> memref<80xi32, #tpu.memory_space<hbm>>
        %dma_wait3A_53 = tpu.memref_slice %arg3[%multiple_of3A_43] : memref<320000xi32, #tpu.memory_space<hbm>> -> memref<80xi32, #tpu.memory_space<hbm>>
        tpu.wait_dma2 semaphore(%run_scoped3A : memref<!tpu.dma_semaphore, #tpu.memory_space<semaphore_mem>>) src(%dma_wait3A_53 : memref<80xi32, #tpu.memory_space<hbm>>) dst(%arg10 : memref<80xi32, #tpu.memory_space<vmem>>)
        tpu.yield
      }) : () -> ()
      "tpu.region"() ({
        %run_scoped3A = tpu.sem_alloc : memref<!tpu.dma_semaphore, #tpu.memory_space<semaphore_mem>>
        %dma_start3A_50 = tpu.memref_slice %arg4[%multiple_of3A_43] : memref<320000xi32, #tpu.memory_space<hbm>> -> memref<80xi32, #tpu.memory_space<hbm>>
        %dma_start3A_51 = tpu.memref_slice %arg4[%multiple_of3A_43] : memref<320000xi32, #tpu.memory_space<hbm>> -> memref<80xi32, #tpu.memory_space<hbm>>
        tpu.enqueue_dma source(%dma_start3A_51 : memref<80xi32, #tpu.memory_space<hbm>>) target(%arg12 : memref<80xi32, #tpu.memory_space<vmem>>) target_semaphore(%run_scoped3A : memref<!tpu.dma_semaphore, #tpu.memory_space<semaphore_mem>>)
        %dma_wait3A_52 = tpu.memref_slice %arg4[%multiple_of3A_43] : memref<320000xi32, #tpu.memory_space<hbm>> -> memref<80xi32, #tpu.memory_space<hbm>>
        %dma_wait3A_53 = tpu.memref_slice %arg4[%multiple_of3A_43] : memref<320000xi32, #tpu.memory_space<hbm>> -> memref<80xi32, #tpu.memory_space<hbm>>
        tpu.wait_dma2 semaphore(%run_scoped3A : memref<!tpu.dma_semaphore, #tpu.memory_space<semaphore_mem>>) src(%dma_wait3A_53 : memref<80xi32, #tpu.memory_space<hbm>>) dst(%arg12 : memref<80xi32, #tpu.memory_space<vmem>>)
        tpu.yield
      }) : () -> ()
      %dma_start3A_44 = arith.constant 0 : i32
      %dma_start3A_45 = arith.constant 0 : i32
      %dma_start3A_46 = tpu.memref_slice %arg2[%dma_start3A_44, %dma_start3A_45] : memref<10000x128xf32, #tpu.memory_space<hbm>> -> memref<10000x128xf32, #tpu.memory_space<hbm>>
      tpu.enqueue_indirect_dma source(%dma_start3A_46 : memref<10000x128xf32, #tpu.memory_space<hbm>>) target(%arg14 : memref<80x128xf32, #tpu.memory_space<vmem>>) offsets(%arg10 : memref<80xi32, #tpu.memory_space<vmem>>) semaphore(%arg20 : memref<!tpu.dma_semaphore, #tpu.memory_space<semaphore_mem>>)
      %dma_wait3A_47 = arith.constant 0 : i32
      %dma_wait3A_48 = arith.constant 0 : i32
      %dma_wait3A_49 = tpu.memref_slice %arg2[%dma_wait3A_47, %dma_wait3A_48] : memref<10000x128xf32, #tpu.memory_space<hbm>> -> memref<10000x128xf32, #tpu.memory_space<hbm>>
      tpu.wait_indirect_dma semaphore(%arg21 : memref<!tpu.dma_semaphore, #tpu.memory_space<semaphore_mem>>) src(%dma_wait3A_49 : memref<10000x128xf32, #tpu.memory_space<hbm>>) dst(%arg15 : memref<80x128xf32, #tpu.memory_space<vmem>>)
      "tpu.region"() ({
        %run_scoped3A = tpu.sem_alloc : memref<!tpu.dma_semaphore, #tpu.memory_space<semaphore_mem>>
        %dma_start3A_50 = arith.constant 0 : i32
        %dma_start3A_51 = arith.constant 0 : i32
        %dma_start3A_52 = tpu.memref_slice %arg18[%dma_start3A_50, %dma_start3A_51] : memref<10112x128xf32, #tpu.memory_space<vmem_shared>> -> memref<10112x128xf32, #tpu.memory_space<vmem_shared>>
        tpu.enqueue_indirect_dma source(%arg15 : memref<80x128xf32, #tpu.memory_space<vmem>>) target(%dma_start3A_52 : memref<10112x128xf32, #tpu.memory_space<vmem_shared>>) offsets(%arg13 : memref<80xi32, #tpu.memory_space<vmem>>) semaphore(%run_scoped3A : memref<!tpu.dma_semaphore, #tpu.memory_space<semaphore_mem>>) {add = true}
        %dma_wait3A_53 = arith.constant 0 : i32
        %dma_wait3A_54 = arith.constant 0 : i32
        %dma_wait3A_55 = tpu.memref_slice %arg18[%dma_wait3A_53, %dma_wait3A_54] : memref<10112x128xf32, #tpu.memory_space<vmem_shared>> -> memref<10112x128xf32, #tpu.memory_space<vmem_shared>>
        tpu.wait_indirect_dma semaphore(%run_scoped3A : memref<!tpu.dma_semaphore, #tpu.memory_space<semaphore_mem>>) src(%arg15 : memref<80x128xf32, #tpu.memory_space<vmem>>) dst(%dma_wait3A_55 : memref<10112x128xf32, #tpu.memory_space<vmem_shared>>)
        tpu.yield
      }) : () -> ()
      "tpu.region"() ({
        %run_scoped3A = tpu.sem_alloc : memref<!tpu.dma_semaphore, #tpu.memory_space<semaphore_mem>>
        %dma_start3A_50 = arith.constant 0 : i32
        %dma_start3A_51 = tpu.memref_slice %arg19[%dma_start3A_50] : memref<10112xf32, #tpu.memory_space<vmem_shared>> -> memref<10112xf32, #tpu.memory_space<vmem_shared>>
        tpu.enqueue_indirect_dma source(%arg16 : memref<80xf32, #tpu.memory_space<vmem>>) target(%dma_start3A_51 : memref<10112xf32, #tpu.memory_space<vmem_shared>>) offsets(%arg13 : memref<80xi32, #tpu.memory_space<vmem>>) semaphore(%run_scoped3A : memref<!tpu.dma_semaphore, #tpu.memory_space<semaphore_mem>>) {add = true}
        %dma_wait3A_52 = arith.constant 0 : i32
        %dma_wait3A_53 = tpu.memref_slice %arg19[%dma_wait3A_52] : memref<10112xf32, #tpu.memory_space<vmem_shared>> -> memref<10112xf32, #tpu.memory_space<vmem_shared>>
        tpu.wait_indirect_dma semaphore(%run_scoped3A : memref<!tpu.dma_semaphore, #tpu.memory_space<semaphore_mem>>) src(%arg16 : memref<80xf32, #tpu.memory_space<vmem>>) dst(%dma_wait3A_53 : memref<10112xf32, #tpu.memory_space<vmem_shared>>)
        tpu.yield
      }) : () -> ()
    }
    %scan3A_14 = arith.constant 62 : i32
    %dma_wait3A = arith.constant 0 : i32
    %dma_wait3A_15 = arith.constant 0 : i32
    %dma_wait3A_16 = tpu.memref_slice %arg2[%dma_wait3A, %dma_wait3A_15] : memref<10000x128xf32, #tpu.memory_space<hbm>> -> memref<10000x128xf32, #tpu.memory_space<hbm>>
    tpu.wait_indirect_dma semaphore(%arg20 : memref<!tpu.dma_semaphore, #tpu.memory_space<semaphore_mem>>) src(%dma_wait3A_16 : memref<10000x128xf32, #tpu.memory_space<hbm>>) dst(%arg14 : memref<80x128xf32, #tpu.memory_space<vmem>>)
    "tpu.region"() ({
      %run_scoped3A = tpu.sem_alloc : memref<!tpu.dma_semaphore, #tpu.memory_space<semaphore_mem>>
      %dma_start3A_22 = arith.constant 0 : i32
      %dma_start3A_23 = arith.constant 0 : i32
      %dma_start3A_24 = tpu.memref_slice %arg18[%dma_start3A_22, %dma_start3A_23] : memref<10112x128xf32, #tpu.memory_space<vmem_shared>> -> memref<10112x128xf32, #tpu.memory_space<vmem_shared>>
      tpu.enqueue_indirect_dma source(%arg14 : memref<80x128xf32, #tpu.memory_space<vmem>>) target(%dma_start3A_24 : memref<10112x128xf32, #tpu.memory_space<vmem_shared>>) offsets(%arg12 : memref<80xi32, #tpu.memory_space<vmem>>) semaphore(%run_scoped3A : memref<!tpu.dma_semaphore, #tpu.memory_space<semaphore_mem>>) {add = true}
      %dma_wait3A_25 = arith.constant 0 : i32
      %dma_wait3A_26 = arith.constant 0 : i32
      %dma_wait3A_27 = tpu.memref_slice %arg18[%dma_wait3A_25, %dma_wait3A_26] : memref<10112x128xf32, #tpu.memory_space<vmem_shared>> -> memref<10112x128xf32, #tpu.memory_space<vmem_shared>>
      tpu.wait_indirect_dma semaphore(%run_scoped3A : memref<!tpu.dma_semaphore, #tpu.memory_space<semaphore_mem>>) src(%arg14 : memref<80x128xf32, #tpu.memory_space<vmem>>) dst(%dma_wait3A_27 : memref<10112x128xf32, #tpu.memory_space<vmem_shared>>)
      tpu.yield
    }) : () -> ()
    "tpu.region"() ({
      %run_scoped3A = tpu.sem_alloc : memref<!tpu.dma_semaphore, #tpu.memory_space<semaphore_mem>>
      %dma_start3A_22 = arith.constant 0 : i32
      %dma_start3A_23 = tpu.memref_slice %arg19[%dma_start3A_22] : memref<10112xf32, #tpu.memory_space<vmem_shared>> -> memref<10112xf32, #tpu.memory_space<vmem_shared>>
      tpu.enqueue_indirect_dma source(%arg16 : memref<80xf32, #tpu.memory_space<vmem>>) target(%dma_start3A_23 : memref<10112xf32, #tpu.memory_space<vmem_shared>>) offsets(%arg12 : memref<80xi32, #tpu.memory_space<vmem>>) semaphore(%run_scoped3A : memref<!tpu.dma_semaphore, #tpu.memory_space<semaphore_mem>>) {add = true}
      %dma_wait3A_24 = arith.constant 0 : i32
      %dma_wait3A_25 = tpu.memref_slice %arg19[%dma_wait3A_24] : memref<10112xf32, #tpu.memory_space<vmem_shared>> -> memref<10112xf32, #tpu.memory_space<vmem_shared>>
      tpu.wait_indirect_dma semaphore(%run_scoped3A : memref<!tpu.dma_semaphore, #tpu.memory_space<semaphore_mem>>) src(%arg16 : memref<80xf32, #tpu.memory_space<vmem>>) dst(%dma_wait3A_25 : memref<10112xf32, #tpu.memory_space<vmem_shared>>)
      tpu.yield
    }) : () -> ()
    %barrier3A_17 = arith.constant 0 : index
    tpu.barrier barrier_id(%barrier3A_17)
    "tpu.region"() ({
      %run_scoped3A = tpu.sem_alloc : memref<!tpu.dma_semaphore, #tpu.memory_space<semaphore_mem>>
      %dma_start3A_22 = arith.constant 0 : i32
      %dma_start3A_23 = tpu.memref_slice %arg8[%arg0, %multiple_of3A, %dma_start3A_22] : memref<2x10112x128xf32, #tpu.memory_space<hbm>> -> memref<1x632x128xf32, #tpu.memory_space<hbm>>
      %dma_start3A_24 = tpu.memref_squeeze %dma_start3A_23 : memref<1x632x128xf32, #tpu.memory_space<hbm>> -> memref<632x128xf32, #tpu.memory_space<hbm>>
      %dma_start3A_25 = arith.constant 0 : i32
      %dma_start3A_26 = tpu.memref_slice %arg18[%multiple_of3A, %dma_start3A_25] : memref<10112x128xf32, #tpu.memory_space<vmem_shared>> -> memref<632x128xf32, #tpu.memory_space<vmem_shared>>
      tpu.enqueue_dma source(%dma_start3A_26 : memref<632x128xf32, #tpu.memory_space<vmem_shared>>) target(%dma_start3A_24 : memref<632x128xf32, #tpu.memory_space<hbm>>) target_semaphore(%run_scoped3A : memref<!tpu.dma_semaphore, #tpu.memory_space<semaphore_mem>>)
      %dma_wait3A_27 = arith.constant 0 : i32
      %dma_wait3A_28 = tpu.memref_slice %arg8[%arg0, %multiple_of3A, %dma_wait3A_27] : memref<2x10112x128xf32, #tpu.memory_space<hbm>> -> memref<1x632x128xf32, #tpu.memory_space<hbm>>
      %dma_wait3A_29 = tpu.memref_squeeze %dma_wait3A_28 : memref<1x632x128xf32, #tpu.memory_space<hbm>> -> memref<632x128xf32, #tpu.memory_space<hbm>>
      %dma_wait3A_30 = arith.constant 0 : i32
      %dma_wait3A_31 = tpu.memref_slice %arg18[%multiple_of3A, %dma_wait3A_30] : memref<10112x128xf32, #tpu.memory_space<vmem_shared>> -> memref<632x128xf32, #tpu.memory_space<vmem_shared>>
      tpu.wait_dma2 semaphore(%run_scoped3A : memref<!tpu.dma_semaphore, #tpu.memory_space<semaphore_mem>>) src(%dma_wait3A_31 : memref<632x128xf32, #tpu.memory_space<vmem_shared>>) dst(%dma_wait3A_29 : memref<632x128xf32, #tpu.memory_space<hbm>>)
      tpu.yield
    }) : () -> ()
    %mul3A_18 = arith.constant 10112 : i32
    %mul3A_19 = arith.muli %arg0, %mul3A_18 : i32
    %add3A_20 = arith.addi %mul3A_19, %multiple_of3A : i32
    %multiple_of3A_21 = tpu.assume_multiple %add3A_20, 8 : i32
    "tpu.region"() ({
      %run_scoped3A = tpu.sem_alloc : memref<!tpu.dma_semaphore, #tpu.memory_space<semaphore_mem>>
      %dma_start3A_22 = tpu.memref_slice %arg19[%multiple_of3A] : memref<10112xf32, #tpu.memory_space<vmem_shared>> -> memref<632xf32, #tpu.memory_space<vmem_shared>>
      %dma_start3A_23 = tpu.memref_slice %arg19[%multiple_of3A] : memref<10112xf32, #tpu.memory_space<vmem_shared>> -> memref<632xf32, #tpu.memory_space<vmem_shared>>
      tpu.enqueue_dma source(%dma_start3A_23 : memref<632xf32, #tpu.memory_space<vmem_shared>>) target(%arg17 : memref<632xf32, #tpu.memory_space<vmem>>) target_semaphore(%run_scoped3A : memref<!tpu.dma_semaphore, #tpu.memory_space<semaphore_mem>>)
      %dma_wait3A_24 = tpu.memref_slice %arg19[%multiple_of3A] : memref<10112xf32, #tpu.memory_space<vmem_shared>> -> memref<632xf32, #tpu.memory_space<vmem_shared>>
      %dma_wait3A_25 = tpu.memref_slice %arg19[%multiple_of3A] : memref<10112xf32, #tpu.memory_space<vmem_shared>> -> memref<632xf32, #tpu.memory_space<vmem_shared>>
      tpu.wait_dma2 semaphore(%run_scoped3A : memref<!tpu.dma_semaphore, #tpu.memory_space<semaphore_mem>>) src(%dma_wait3A_25 : memref<632xf32, #tpu.memory_space<vmem_shared>>) dst(%arg17 : memref<632xf32, #tpu.memory_space<vmem>>)
      tpu.yield
    }) : () -> ()
    "tpu.region"() ({
      %run_scoped3A = tpu.sem_alloc : memref<!tpu.dma_semaphore, #tpu.memory_space<semaphore_mem>>
      %dma_start3A_22 = tpu.memref_slice %arg9[%multiple_of3A_21] : memref<20224xf32, #tpu.memory_space<hbm>> -> memref<632xf32, #tpu.memory_space<hbm>>
      %dma_start3A_23 = tpu.memref_slice %arg9[%multiple_of3A_21] : memref<20224xf32, #tpu.memory_space<hbm>> -> memref<632xf32, #tpu.memory_space<hbm>>
      tpu.enqueue_dma source(%arg17 : memref<632xf32, #tpu.memory_space<vmem>>) target(%dma_start3A_23 : memref<632xf32, #tpu.memory_space<hbm>>) target_semaphore(%run_scoped3A : memref<!tpu.dma_semaphore, #tpu.memory_space<semaphore_mem>>)
      %dma_wait3A_24 = tpu.memref_slice %arg9[%multiple_of3A_21] : memref<20224xf32, #tpu.memory_space<hbm>> -> memref<632xf32, #tpu.memory_space<hbm>>
      %dma_wait3A_25 = tpu.memref_slice %arg9[%multiple_of3A_21] : memref<20224xf32, #tpu.memory_space<hbm>> -> memref<632xf32, #tpu.memory_space<hbm>>
      tpu.wait_dma2 semaphore(%run_scoped3A : memref<!tpu.dma_semaphore, #tpu.memory_space<semaphore_mem>>) src(%arg17 : memref<632xf32, #tpu.memory_space<vmem>>) dst(%dma_wait3A_25 : memref<632xf32, #tpu.memory_space<hbm>>)
      tpu.yield
    }) : () -> ()
    return
  }
}

module attributes {stable_mosaic.version = 14 : i64} {
  func.func @_linear_body(%arg0: i32, %arg1: memref<1000x128xf32, #tpu.memory_space<vmem>>, %arg2: memref<128x128xf32, #tpu.memory_space<vmem>>, %arg3: memref<1x128xf32, #tpu.memory_space<vmem>>, %arg4: memref<1000x128xf32, #tpu.memory_space<vmem>>) attributes {dimension_semantics = [#tpu.dimension_semantics<arbitrary>], iteration_bounds = array<i64: 10>, scalar_prefetch = 0 : i64, scratch_operands = 0 : i64, tpu.core_type = #tpu.core_type<tc>, window_params = [{transform_indices = @transform_0, window_bounds = array<i64: 1000, 128>}, {pipeline_mode = #tpu.pipeline_mode<synchronous>, transform_indices = @transform_1, window_bounds = array<i64: 128, 128>}, {pipeline_mode = #tpu.pipeline_mode<synchronous>, transform_indices = @transform_2, window_bounds = array<i64: 1, 128>}, {transform_indices = @transform_3, window_bounds = array<i64: 1000, 128>}]} {
    %get3A = arith.constant 0 : index
    %get3A_0 = arith.constant 0 : index
    %get3A_1 = vector.load %arg1[%get3A, %get3A_0] : memref<1000x128xf32, #tpu.memory_space<vmem>>, vector<1000x128xf32>
    %get3A_2 = arith.constant 0 : index
    %get3A_3 = arith.constant 0 : index
    %get3A_4 = vector.load %arg2[%get3A_2, %get3A_3] : memref<128x128xf32, #tpu.memory_space<vmem>>, vector<128x128xf32>
    %dot_general3A = arith.constant dense<0.000000e+00> : vector<1000x128xf32>
    %dot_general3A_5 = tpu.matmul %get3A_1, %get3A_4, %dot_general3A {dimension_numbers = #tpu.dot_dimension_numbers<[1], [1], [0], [0], [0, 0, 1, 0], [], []>, transpose_lhs_hint = false} : vector<1000x128xf32>, vector<128x128xf32>, vector<1000x128xf32> -> vector<1000x128xf32>
    %get3A_6 = arith.constant 0 : index
    %get3A_7 = arith.constant 0 : index
    %get3A_8 = vector.load %arg3[%get3A_6, %get3A_7] : memref<1x128xf32, #tpu.memory_space<vmem>>, vector<1x128xf32>
    %add3A = vector.broadcast %get3A_8 : vector<1x128xf32> to vector<1000x128xf32>
    %add3A_9 = arith.addf %dot_general3A_5, %add3A : vector<1000x128xf32>
    %swap3A = arith.constant 0 : index
    %swap3A_10 = arith.constant 0 : index
    %swap3A_11 = vector.load %arg4[%swap3A, %swap3A_10] : memref<1000x128xf32, #tpu.memory_space<vmem>>, vector<1000x128xf32>
    tpu.vector_store %arg4[%swap3A, %swap3A_10], %add3A_9 {strides = array<i32>} : memref<1000x128xf32, #tpu.memory_space<vmem>>, vector<1000x128xf32>,
    return
  }
  func.func @transform_0(%arg0: i32) -> (i32, i32) {
    %c0_i32 = arith.constant 0 : i32
    %c0_i32_0 = arith.constant 0 : i32
    return %arg0, %c0_i32 : i32, i32
  }
  func.func @transform_1(%arg0: i32) -> (i32, i32) {
    %c0_i32 = arith.constant 0 : i32
    %c0_i32_0 = arith.constant 0 : i32
    %c0_i32_1 = arith.constant 0 : i32
    return %c0_i32, %c0_i32_0 : i32, i32
  }
  func.func @transform_2(%arg0: i32) -> (i32, i32) {
    %c0_i32 = arith.constant 0 : i32
    %c0_i32_0 = arith.constant 0 : i32
    %c0_i32_1 = arith.constant 0 : i32
    return %c0_i32, %c0_i32_0 : i32, i32
  }
  func.func @transform_3(%arg0: i32) -> (i32, i32) {
    %c0_i32 = arith.constant 0 : i32
    %c0_i32_0 = arith.constant 0 : i32
    return %arg0, %c0_i32 : i32, i32
  }
}

module attributes {stable_mosaic.version = 14 : i64} {
  func.func @_combine_body(%arg0: i32, %arg1: memref<2x1000x128xf32, #tpu.memory_space<vmem>>, %arg2: memref<2x1000x1xf32, #tpu.memory_space<vmem>>, %arg3: memref<1000x128xf32, #tpu.memory_space<vmem>>) attributes {dimension_semantics = [#tpu.dimension_semantics<arbitrary>], iteration_bounds = array<i64: 10>, scalar_prefetch = 0 : i64, scratch_operands = 0 : i64, tpu.core_type = #tpu.core_type<tc>, window_params = [{transform_indices = @transform_0, window_bounds = array<i64: 2, 1000, 128>}, {transform_indices = @transform_1, window_bounds = array<i64: 2, 1000, 1>}, {transform_indices = @transform_2, window_bounds = array<i64: 1000, 128>}]} {
    %get3A = arith.constant 0 : index
    %get3A_0 = arith.constant 0 : index
    %get3A_1 = arith.constant 0 : index
    %get3A_2 = vector.load %arg2[%get3A, %get3A_0, %get3A_1] : memref<2x1000x1xf32, #tpu.memory_space<vmem>>, vector<1x1000x1xf32>
    %get3A_3 = vector.shape_cast %get3A_2 : vector<1x1000x1xf32> to vector<1000x1xf32>
    %get3A_4 = arith.constant 1 : index
    %get3A_5 = arith.constant 0 : index
    %get3A_6 = arith.constant 0 : index
    %get3A_7 = vector.load %arg2[%get3A_4, %get3A_5, %get3A_6] : memref<2x1000x1xf32, #tpu.memory_space<vmem>>, vector<1x1000x1xf32>
    %get3A_8 = vector.shape_cast %get3A_7 : vector<1x1000x1xf32> to vector<1000x1xf32>
    %add3A = arith.addf %get3A_3, %get3A_8 : vector<1000x1xf32>
    %max3A = arith.constant 1.000000e+00 : f32
    %max3A_9 = vector.broadcast %max3A : f32 to vector<1000x1xf32>
    %max3A_10 = arith.maximumf %add3A, %max3A_9 : vector<1000x1xf32>
    %get3A_11 = arith.constant 0 : index
    %get3A_12 = arith.constant 0 : index
    %get3A_13 = arith.constant 0 : index
    %get3A_14 = vector.load %arg1[%get3A_11, %get3A_12, %get3A_13] : memref<2x1000x128xf32, #tpu.memory_space<vmem>>, vector<1x1000x128xf32>
    %get3A_15 = vector.shape_cast %get3A_14 : vector<1x1000x128xf32> to vector<1000x128xf32>
    %get3A_16 = arith.constant 1 : index
    %get3A_17 = arith.constant 0 : index
    %get3A_18 = arith.constant 0 : index
    %get3A_19 = vector.load %arg1[%get3A_16, %get3A_17, %get3A_18] : memref<2x1000x128xf32, #tpu.memory_space<vmem>>, vector<1x1000x128xf32>
    %get3A_20 = vector.shape_cast %get3A_19 : vector<1x1000x128xf32> to vector<1000x128xf32>
    %add3A_21 = arith.addf %get3A_15, %get3A_20 : vector<1000x128xf32>
    %div3A = vector.broadcast %max3A_10 : vector<1000x1xf32> to vector<1000x128xf32>
    %div3A_22 = arith.divf %add3A_21, %div3A : vector<1000x128xf32>
    %max3A_23 = arith.constant 0.000000e+00 : f32
    %max3A_24 = vector.broadcast %max3A_23 : f32 to vector<1000x128xf32>
    %max3A_25 = arith.maximumf %div3A_22, %max3A_24 : vector<1000x128xf32>
    %swap3A = arith.constant 0 : index
    %swap3A_26 = arith.constant 0 : index
    %swap3A_27 = vector.load %arg3[%swap3A, %swap3A_26] : memref<1000x128xf32, #tpu.memory_space<vmem>>, vector<1000x128xf32>
    tpu.vector_store %arg3[%swap3A, %swap3A_26], %max3A_25 {strides = array<i32>} : memref<1000x128xf32, #tpu.memory_space<vmem>>, vector<1000x128xf32>,
    return
  }
  func.func @transform_0(%arg0: i32) -> (i32, i32, i32) {
    %c0_i32 = arith.constant 0 : i32
    %c0_i32_0 = arith.constant 0 : i32
    %c0_i32_1 = arith.constant 0 : i32
    return %c0_i32, %arg0, %c0_i32_0 : i32, i32, i32
  }
  func.func @transform_1(%arg0: i32) -> (i32, i32, i32) {
    %c0_i32 = arith.constant 0 : i32
    %c0_i32_0 = arith.constant 0 : i32
    %c0_i32_1 = arith.constant 0 : i32
    return %c0_i32, %arg0, %c0_i32_0 : i32, i32, i32
  }
  func.func @transform_2(%arg0: i32) -> (i32, i32) {
    %c0_i32 = arith.constant 0 : i32
    %c0_i32_0 = arith.constant 0 : i32
    return %arg0, %c0_i32 : i32, i32
  }
}

</mosaic_0001>

<sc_bundles>
// kernel: kernel.5.cloned.1.call-start
scs
__scs_entry_jumppad:
0x0: {  	(pc) =	sbr.rel $0x88, $3  }
0x1: {  	(tag) =	ssettag $0x0;
	lr =	simm.s32 $0x1  }
0x2: {  	[smem:$0x3F9D] =	sst lr;
	_ =	strace $0xD0000000  }
0x3: {  	_ = 	snop  }
0x4: {  	_ = 	snop  }
0x5: {  	_ = 	snop  }
0x6: {  	_ = 	snop  }
0x7: {  	_ = 	snop  }
__scs_overlays_trampoline_lowered:
0x8: {  	[smem:$0x3FAC] =	sst s0  }
0x9: {  	[smem:$0x3FAD] =	sst s1  }
0xa: {  	[smem:$0x3FAE] =	sst s2  }
0xb: {  	[smem:$0x3FAF] =	sst s3  }
0xc: {  	[smem:$0x3FB0] =	sst s4  }
0xd: {  	[smem:$0x3FB1] =	sst s5  }
0xe: {  	[smem:$0x3FB2] =	sst s6  }
0xf: {  	[smem:$0x3FB3] =	sst s7  }
0x10: {  	[smem:$0x3FB4] =	sst s8  }
0x11: {  	[smem:$0x3FB5] =	sst s9;
	s0 =	simm.s32 @!p0 $0x0  }
0x12: {  	s1 =	sld [smem:$0x3F9B];
	s0 =	simm.s32 @p0 $0x1  }
0x13: {  	[smem:$0x3FB6] =	sst s0;
	s0 =	simm.s32 @!p1 $0x0  }
0x14: {  	s2 =	sld [smem:$0x3F9A];
	s0 =	simm.s32 @p1 $0x1  }
0x15: {  	[smem:$0x3FB7] =	sst s0;
	s0 =	simm.s32 @!p2 $0x0  }
0x16: {  	s3 =	sld [smem:$0x3FDB];
	s0 =	simm.s32 @p2 $0x1  }
0x17: {  	s4 =	simm.s32 $0x1BF5;
	[smem:$0x3FB9] =	sst s0  }
0x18: {  	s0 =	sld [smem:$0x3F9C];
	_ =	swait.ge [sflag:s4], $0x0  }
0x19: {  	s7 =	sld [smem:$0x3F9D]  }
0x1a: {  	s8 =	sadd.s32 $0xFFFFE003, lr  }
0x1b: {  	s9 =	sadd.s32 $0xFFFFFEF7, lr;
	s5 =	simm.s32 $0xFFFFFFFF;
	p2 =	slt.u32 s8, $0xFFFFF086  }
0x1c: {  	p1 =	slt.u32 s9, $0xF7A;
	s5 =	simm.s32 @!p2 $0x0  }
0x1d: {  	s5 =	simm.s32 @p1 $0x1;
	p0 =	seq.s32 s7, s2  }
0x1e: {  	s7 =	smul.u32 @!p0 $0xF7A, s2;
	p2 =	seq.s32 @!p0 s5, $0x0  }
0x1f: {  	s9 =	smul.u32 $0xF7A, s1;
	s8 =	simm.s32 @!p0 $0x1BF5;
	p2 =	por !p2, p0  }
0x20: {  	[sflag:s8] =	ssyncset.s32 @!p0 $0xFFFFF086;
	s6 =	sadd.s32 @!p0 s3, s7;
	s7 =	simm.s32 @!p0 $0x108  }
0x21: {  	s3 =	sadd.s32 s3, s9;
	s6 =	sadd.s32 @!p0 $0x88, s6;
	s7 =	simm.s32 @p2 $0x1082  }
0x22: {  	[simem:s7], [sflag:s8] =	dma.local @!p0 [hbm:s6], $0xF7A  }
0x23: {  	s9 =	sor.u32 $0xD0000000, s2;
	s6 =	simm.s32 $0x108;
	_ =	swait.ge @!p0 [sflag:s8], $0x0  }
0x24: {  	s3 =	sadd.s32 $0x88, s3;
	s6 =	simm.s32 @!p1 $0x1082;
	[sflag:s4] =	ssyncset.s32 $0xFFFFF086  }
0x25: {  	[simem:s6], [sflag:s4] =	dma.local [hbm:s3], $0xF7A  }
0x26: {  	[smem:$0x3F9D] =	sst s1;
	(tag) =	ssettag s2;
	_ =	strace s9  }
0x27: {  	s1 =	sld [smem:$0x3FAD]  }
0x28: {  	s2 =	sld [smem:$0x3FAE]  }
0x29: {  	s4 =	sld [smem:$0x3FB0]  }
0x2a: {  	p0 =	seq.s32 s5, $0x0;
	s5 =	sld [smem:$0x3FB1]  }
0x2b: {  	s6 =	sld [smem:$0x3FB2]  }
0x2c: {  	s7 =	sld [smem:$0x3FB3]  }
0x2d: {  	s3 =	simm.s32 $0x108;
	s8 =	sld [smem:$0x3FB4]  }
0x2e: {  	s3 =	simm.s32 @!p0 $0x1082;
	s9 =	sld [smem:$0x3FB5]  }
0x2f: {  	lr =	sadd.s32 s0, s3;
	s0 =	sld [smem:$0x3FAC]  }
0x30: {  	s3 =	sld [smem:$0x3FAF]  }
0x31: {  	[smem:$0x3FB8] =	sst s10  }
0x32: {  	s10 =	sld [smem:$0x3FB6];
	_ =	sdelay $0x3  }
0x33: {  	p0 =	seq.s32 s10, $0x1;
	s10 =	sld [smem:$0x3FB8];
	_ =	sdelay $0x3  }
0x34: {  	[smem:$0x3FB8] =	sst s10  }
0x35: {  	s10 =	sld [smem:$0x3FB7];
	_ =	sdelay $0x3  }
0x36: {  	p1 =	seq.s32 s10, $0x1;
	s10 =	sld [smem:$0x3FB8];
	_ =	sdelay $0x3  }
0x37: {  	[smem:$0x3FB8] =	sst s10  }
0x38: {  	s10 =	sld [smem:$0x3FB9]  }
0x39: {  	_ = 	snop;
	(pc) =	sbr.ind lr, $3  }
0x3a: {  	_ = 	snop  }
0x3b: {  	_ = 	snop  }
0x3c: {  	p2 =	seq.s32 s10, $0x1;
	s10 =	sld [smem:$0x3FB8]  }
0x3d: {  	_ =	shalt  }
0x3e: {  	_ =	shalt  }
0x3f: {  	_ =	shalt  }
0x40: {  	_ =	shalt  }
0x41: {  	_ =	shalt  }
0x42: {  	_ =	shalt  }
0x43: {  	_ =	shalt  }
0x44: {  	_ =	shalt  }
0x45: {  	_ =	shalt  }
0x46: {  	_ =	shalt  }
0x47: {  	_ =	shalt  }
0x48: {  	_ =	shalt  }
0x49: {  	_ =	shalt  }
0x4a: {  	_ =	shalt  }
0x4b: {  	_ =	shalt  }
0x4c: {  	_ =	shalt  }
0x4d: {  	_ =	shalt  }
0x4e: {  	_ =	shalt  }
0x4f: {  	_ =	shalt  }
0x50: {  	_ =	shalt  }
0x51: {  	_ =	shalt  }
0x52: {  	_ =	shalt  }
0x53: {  	_ =	shalt  }
0x54: {  	_ =	shalt  }
0x55: {  	_ =	shalt  }
0x56: {  	_ =	shalt  }
0x57: {  	_ =	shalt  }
0x58: {  	_ =	shalt  }
0x59: {  	_ =	shalt  }
0x5a: {  	_ =	shalt  }
0x5b: {  	_ =	shalt  }
0x5c: {  	_ =	shalt  }
0x5d: {  	_ =	shalt  }
0x5e: {  	_ =	shalt  }
0x5f: {  	_ =	shalt  }
0x60: {  	_ =	shalt  }
0x61: {  	_ =	shalt  }
0x62: {  	_ =	shalt  }
0x63: {  	_ =	shalt  }
0x64: {  	_ =	shalt  }
0x65: {  	_ =	shalt  }
0x66: {  	_ =	shalt  }
0x67: {  	_ =	shalt  }
0x68: {  	_ =	shalt  }
0x69: {  	_ =	shalt  }
0x6a: {  	_ =	shalt  }
0x6b: {  	_ =	shalt  }
0x6c: {  	_ =	shalt  }
0x6d: {  	_ =	shalt  }
0x6e: {  	_ =	shalt  }
0x6f: {  	_ =	shalt  }
0x70: {  	_ =	shalt  }
0x71: {  	_ =	shalt  }
0x72: {  	_ =	shalt  }
0x73: {  	_ =	shalt  }
0x74: {  	_ =	shalt  }
0x75: {  	_ =	shalt  }
0x76: {  	_ =	shalt  }
0x77: {  	_ =	shalt  }
0x78: {  	_ =	shalt  }
0x79: {  	_ =	shalt  }
0x7a: {  	_ =	shalt  }
0x7b: {  	_ =	shalt  }
0x7c: {  	_ =	shalt  }
0x7d: {  	_ =	shalt  }
0x7e: {  	_ =	shalt  }
0x7f: {  	_ =	shalt  }
0x80: {  	_ =	shalt  }
0x81: {  	_ =	shalt  }
0x82: {  	_ =	shalt  }
0x83: {  	_ =	shalt  }
0x84: {  	_ =	shalt  }
0x85: {  	_ =	shalt  }
0x86: {  	_ =	shalt  }
0x87: {  	_ =	shalt  }
.Lfunc_end0:
.L_simem_size_0:
called_computation_lowered:
.L_overlay_start_0:
0x88: {  	s2 =	sld [smem:$0x3FD9]  }
0x89: {  	s3 =	sld [smem:$0x3FFE];
	_ =	sdelay $0x1  }
0x8a: {  	s1 =	srdreg.scid  }
0x8b: {  	s0 =	sand.u32 $0x1, s1  }
0x8c: {  	s17 =	sshll.u32 s0, $0xA;
	s2 =	sadd.s32 s3, s2  }
0x8d: {  	s2 =	sadd.s32 s2, s17  }
0x8e: {  	[smem:$0x3FC4] =	sst s2  }
0x8f: {  	_ = 	snop  }
0x90: {  	s2 =	sld [smem:$0x3FD0];
	(tm) =	ssettm $0x1  }
0x91: {  	s18 =	sld [smem:$0x3FFB];
	_ =	sdelay $0x3  }
0x92: {  	_ =	strace s18  }
0x93: {  	s3 =	sld [smem:$0x3FFC];
	_ =	sdelay $0x3  }
0x94: {  	_ =	strace s3  }
0x95: {  	s3 =	sld [smem:$0x3FFD];
	_ =	sdelay $0x3  }
0x96: {  	_ =	strace s3  }
0x97: {  	_ =	strace $0x8FFFFFFF  }
0x98: {  	s19 =	sld [smem:$0x3FDB];
	_ =	sdelay $0x1  }
0x99: {  	s4 =	simm.s32 $_scs_section_size  }
0x9a: {  	s5 =	simm.s32 $_size__tile_overlayer_lowered;
	s6 =	simm.s32 $_tile_overlayer_lowered  }
0x9b: {  	s22 =	simm.s32 $0x1BFF;
	s21 =	sshll.u32 s6, $0x1;
	s3 =	sadd.s32 s4, s19  }
0x9c: {  	s7 =	simm.s32 $0x0;
	s20 =	sshll.u32 s5, $0x1;
	s5 =	sadd.s32 s21, s3  }
0x9d: {  	[timem:s7], [sflag:s22] =	dma.local [hbm:s5], s20  }
0x9e: {  	_ =	swait.ge [sflag:s22], s20  }
0x9f: {  	s4 =	ssub.s32 $0x0, s20;
	[sflag:s22] =	ssyncset.done $0x0  }
0xa0: {  	[sflag:s22] =	ssyncadd.s32 s4;
	_ =	sdelay $0x1  }
0xa1: {  	s23 =	simm.s32 $0x1B8B  }
0xa2: {  	_ =	swait.ge [sflag:s23], $0x1  }
0xa3: {  	[sflag:s23] =	ssyncset.done $0x0  }
0xa4: {  	s25 =	simm.s32 $0x1B8E;
	s24 =	sld [smem:$0x3FFE];
	[sflag:s23] =	ssyncadd.s32 $0xFFFFFFFF  }
0xa5: {  	s26 =	simm.s32 $execute0_lowered;
	[smem:$0x3FD2] =	sst s25  }
0xa6: {  	s5 =	sshll.u32 s26, $0x1;
	_ =	strace $0x80000046;
	[dreg:$0x1] =	wrdreg $0xFFFFFFFF  }
0xa7: {  	s28 =	simm.s32 $_size_execute0_lowered;
	s3 =	sadd.s32 s3, s5;
	[dreg:$0x0] =	wrdreg $0x0  }
0xa8: {  	s5 =	sshll.u32 s28, $0x1;
	[dreg:$0x2] =	wrdreg s3  }
0xa9: {  	[dreg:$0x3] =	wrdreg s5  }
0xaa: {  	[dreg:$0x4] =	wrdreg $0xC0  }
0xab: {  	_ =	task [dreg:s7], $0x5FFFF  }
0xac: {  	[dreg:$0x1] =	wrdreg $0xFFFFFFFF  }
0xad: {  	[dreg:$0x0] =	wrdreg $0x60  }
0xae: {  	[dreg:$0x2] =	wrdreg s2  }
0xaf: {  	[dreg:$0x3] =	wrdreg s24  }
0xb0: {  	[dreg:$0x4] =	wrdreg $0x55000  }
0xb1: {  	[dreg:$0x5] =	wrdreg $0x191000  }
0xb2: {  	[dreg:$0x6] =	wrdreg $0x9  }
0xb3: {  	_ =	task.clear_ibuf [dreg:s7], $0x7FFFF;
	_ =	strace $0x90000046  }
0xb4: {  	s29 =	simm.s32 $0x9;
	_ =	strace $0x80000048  }
0xb5: {  	_ =	swait.ge [sflag:s29], $0x1  }
0xb6: {  	[sflag:s29] =	ssyncadd.s32 $0xFFFFFFFF  }
0xb7: {  	_ =	strace $0x90000048  }
0xb8: {  	_ =	sfence  }
0xb9: {  	s30 =	sld [smem:$0x0];
	_ =	sdelay $0x2  }
0xba: {  	s31 =	sshll.u32 s1, $0xD;
	s1 =	sshrl.u32 s1, $0x2  }
0xbb: {  	s3 =	sand.u32 $0x4000, s31;
	s1 =	sadd.s32 s1, s30  }
0xbc: {  	s0 =	sor.u32 s3, s0;
	s1 =	sshll.u32 s1, $0x11  }
0xbd: {  	s0 =	sor.u32 s1, s0  }
0xbe: {  	s0 =	sadd.s32 $0x8F2B, s0  }
0xbf: {  	[sflag:s0] =	ssyncadd.remote.s32 $0x1  }
0xc0: {  	_ =	sfence.sel $0xFFFF  }
0xc1: {  	[dreg:$0x0] =	wrdreg $0xFFFFFFFF;
	(pc) =	sbr.abs _section_cstart, $3  }
0xc2: {  	[dreg:$0x1] =	wrdreg $0xFFFFFFFF  }
0xc3: {  	_ =	task.clear_ibuf [dreg:s7], $0x2FFFF;
	_ =	strace $0x9FFFFFFF  }
0xc4: {  	(tm) =	ssettm $0x7FFFFFFF  }
0xc5: {  	_ =	shalt  }
tec
execute0_lowered:
.L_overlay_start_1:
0x0: {  	(tag) =	ssettag $0x1  }
0x1: {  	s1 =	rddreg [dreg:$0x0]  }
0x2: {  	s0 =	rddreg [dreg:$0x1]  }
0x3: {  	s2 =	rddreg [dreg:$0x2]  }
0x4: {  	s3 =	rddreg [dreg:$0x3];
	s4 =	srdreg.scid  }
0x5: {  	s5 =	simm.s32 $0x0;
	s15 =	stileid.u32;
	s28 =	simm.s32 $0x200  }
0x6: {  	s29 =	simm.s32 $0x80;
	s30 =	simm.s32 $0x180;
	s31 =	simm.s32 $0x2A00  }
0x7: {  	s4 =	sand.u32 $0x1, s4;
	[smem:$0x7FF] =	sst s5;
	s9 =	smul.u32 $0x13C00, s15  }
0x8: {  	s10 =	smul.u32 $0x278, s15;
	s6 =	sadd.s32 $0xA800, s0;
	s7 =	sadd.s32 $0xA00, s0  }
0x9: {  	s12 =	sadd.s32 $0x14A00, s0;
	s16 =	sadd.s32 $0x14800, s0;
	s13 =	smul.u32 $0x4F000, s15  }
0xa: {  	s17 =	sadd.s32 $0x14600, s0;
	s19 =	sshll.u32 s15, $0x1;
	s23 =	smul.u32 $0x4E20, s15  }
0xb: {  	s24 =	sshll.u32 s15, $0x6;
	_ =	strace $0x80000047;
	[dreg:$0x5] =	wrdreg s12  }
0xc: {  	s8 =	smul.u32 $0x13C000, s4;
	[dreg:$0x6] =	wrdreg s16;
	s20 =	ssub.s32 $0x2, s4  }
0xd: {  	s11 =	smul.u32 $0x2780, s4;
	[dreg:$0x7] =	wrdreg s17;
	s21 =	sshrl.u32 s20, $0x1  }
0xe: {  	s22 =	sshrl.u32 s13, $0x2;
	s12 =	sadd.s32 s10, s3;
	s8 =	sadd.s32 s9, s8  }
0xf: {  	s18 =	sadd.s32 s10, s11;
	s11 =	sor.u32 s4, s19;
	s4 =	smul.u32 $0x2710, s4  }
0x10: {  	s8 =	sshrl.u32 s8, $0x3;
	s9 =	sshrl.u32 s18, $0x3;
	s14 =	smul.u32 $0x2710, s11  }
0x11: {  	s11 =	sor.u32 $0x1C03, s24;
	s24 =	simm.s32 $0x5200;
	s8 =	sadd.s32 s8, s0  }
0x12: {  	s0 =	sadd.s32 s9, s0;
	s9 =	ssub.s32 s20, s21;
	s21 =	sadd.s32 s22, s2  }
0x13: {  	s4 =	sadd.s32 s4, s23;
	s22 =	simm.s32 $0x3;
	s23 =	simm.s32 $0x5280  }
0x14: {  	s25 =	sshrl.u32 s14, $0x3;
	s8 =	sadd.s32 $0x17C00, s8;
	s0 =	sadd.s32 $0x17200, s0  }
0x15: {  	s26 =	sadd.s32 $0x50, s4;
	s17 =	smax.u32 s9, $0x1;
	s18 =	sadd.s32 $0xA0, s4  }
0x16: {  	s21 =	sshrl.u32 s21, $0x3;
	s4 =	simm.s32 $0x2;
	[dreg:$0xa] =	wrdreg s8  }
0x17: {  	s14 =	sadd.s32 s6, s25;
	s10 =	sadd.s32 s7, s25;
	[dreg:$0xb] =	wrdreg s0  }
0x18: {  	s0 =	sshrl.u32 s26, $0x3;
	s25 =	simm.s32 $0x100;
	[dreg:$0x8] =	wrdreg s14  }
0x19: {  	s26 =	simm.s32 $0x50;
	s8 =	simm.s32 $0x0;
	[dreg:$0x9] =	wrdreg s10  }
0x1a: {  	s19 =	sadd.s32 s0, s7;
	s20 =	sadd.s32 s0, s6;
	s0 =	simm.s32 $0x1  }
.LBB2_1:
0x1b: {  	s9 =	rddreg [dreg:$0x5]  }
0x1c: {  	[spmem:s21], [sflag:s11] =	dma.local [hbm:s9], $0x2780  }
0x1d: {  	_ =	swait.ge [sflag:s22], $0x2780  }
0x1e: {  	[sflag:s22] =	ssyncset.done $0x0  }
0x1f: {  	s15 =	rddreg [dreg:$0x6];
	[sflag:s22] =	ssyncadd.s32 $0xFFFFD880  }
0x20: {  	[tilespmem:s23], [sflag:$0x3] =	stream.linear.gather [hbm4b:s15+s5], $0x280, $0x38;
	[tilespmem:$0x19378] =	vst v63  }
0x21: {  	_ =	swait.ge [sflag:s22], $0x280  }
0x22: {  	[sflag:s22] =	ssyncset.done $0x0  }
0x23: {  	[sflag:s22] =	ssyncadd.s32 $0xFFFFFD80  }
0x24: {  	[spmem:s12] =	stream.linear.scatter [tilespmem:s23], [sflag:$0x3], $0x278, $0x38;
	[tilespmem:$0x19378] =	vst v63  }
0x25: {  	_ =	swait.ge [sflag:s22], $0x278  }
0x26: {  	[sflag:s22] =	ssyncset.done $0x0  }
0x27: {  	s16 =	rddreg [dreg:$0x7];
	[sflag:s22] =	ssyncadd.s32 $0xFFFFFD88  }
0x28: {  	[tilespmem:s24], [sflag:$0x3] =	stream.linear.gather [hbm4b:s16+s5], $0x80, $0x38;
	[tilespmem:$0x19378] =	vst v63  }
0x29: {  	_ =	swait.ge [sflag:s22], $0x80  }
0x2a: {  	[sflag:s22] =	ssyncset.done $0x0  }
0x2b: {  	[sflag:s22] =	ssyncadd.s32 $0xFFFFFF80  }
0x2c: {  	[bflag:$0x0] =	sbarrier.arrive $0xFFFF  }
0x2d: {  	s10 =	rddreg [dreg:$0x8]  }
0x2e: {  	[tilespmem:s5], [sflag:$0x3] =	stream.linear.gather [hbm4b:s10+s5], $0x50, $0x38;
	[tilespmem:$0x19378] =	vst v63  }
0x2f: {  	_ =	swait.ge [sflag:s22], $0x50  }
0x30: {  	[sflag:s22] =	ssyncset.done $0x0  }
0x31: {  	s13 =	rddreg [dreg:$0x9];
	[sflag:s22] =	ssyncadd.s32 $0xFFFFFFB0  }
0x32: {  	[tilespmem:s25], [sflag:$0x3] =	stream.linear.gather [hbm4b:s13+s5], $0x50, $0x38;
	[tilespmem:$0x19378] =	vst v63  }
0x33: {  	_ =	swait.ge [sflag:s22], $0x50  }
0x34: {  	[sflag:s22] =	ssyncset.done $0x0  }
0x35: {  	[sflag:s22] =	ssyncadd.s32 $0xFFFFFFB0  }
0x36: {  	[tilespmem:s28], [sflag:$0x1] =	stream.indirect.gather [hbm4b:s1+s26], $0x80, s5, s26, $0xb8;
	[tilespmem:$0x19378] =	vst v63  }
0x37: {  	s14 =	sadd.s32 $0x0, s20  }
0x38: {  	[tilespmem:s29], [sflag:$0x3] =	stream.linear.gather [hbm4b:s14+s5], $0x50, $0x38;
	[tilespmem:$0x19378] =	vst v63  }
0x39: {  	_ =	swait.ge [sflag:s22], $0x50  }
0x3a: {  	[sflag:s22] =	ssyncset.done $0x0  }
0x3b: {  	s15 =	sadd.s32 $0x0, s19;
	[sflag:s22] =	ssyncadd.s32 $0xFFFFFFB0  }
0x3c: {  	[tilespmem:s30], [sflag:$0x3] =	stream.linear.gather [hbm4b:s15+s5], $0x50, $0x38;
	[tilespmem:$0x19378] =	vst v63  }
0x3d: {  	_ =	swait.ge [sflag:s22], $0x50  }
0x3e: {  	[sflag:s22] =	ssyncset.done $0x0  }
0x3f: {  	[sflag:s22] =	ssyncadd.s32 $0xFFFFFFB0  }
0x40: {  	[tilespmem:s31], [sflag:$0x2] =	stream.indirect.gather [hbm4b:s1+s26], $0x80, s29, s26, $0xb8;
	[tilespmem:$0x19378] =	vst v63  }
0x41: {  	_ =	swait.ge [sflag:s0], $0x2800  }
0x42: {  	[sflag:s0] =	ssyncset.done $0x0  }
0x43: {  	[sflag:s0] =	ssyncadd.s32 $0xFFFFD800  }
0x44: {  	[spmem:s2] =	stream.indirect.scatter.add.f32 [tilespmem:s28], [sflag:$0x3], $0x80, s25, s26, $0xb8;
	[tilespmem:$0x19378] =	vst v63  }
0x45: {  	_ =	swait.ge [sflag:s22], $0x2800  }
0x46: {  	[sflag:s22] =	ssyncset.done $0x0  }
0x47: {  	[sflag:s22] =	ssyncadd.s32 $0xFFFFD800  }
0x48: {  	[spmem:s3] =	stream.indirect.scatter.add.f32 [tilespmem:s24], [sflag:$0x3], $0x1, s25, s26, $0xb8;
	[tilespmem:$0x19378] =	vst v63  }
0x49: {  	_ =	swait.ge [sflag:s22], $0x50  }
0x4a: {  	s16 =	sshrl.u32 s18, $0x3;
	[sflag:s22] =	ssyncset.done $0x0  }
0x4b: {  	s10 =	sadd.s32 s6, s16;
	[sflag:s22] =	ssyncadd.s32 $0xFFFFFFB0  }
0x4c: {  	[tilespmem:s5], [sflag:$0x3] =	stream.linear.gather [hbm4b:s10+s5], $0x50, $0x38;
	[tilespmem:$0x19378] =	vst v63  }
0x4d: {  	_ =	swait.ge [sflag:s22], $0x50  }
0x4e: {  	[sflag:s22] =	ssyncset.done $0x0  }
0x4f: {  	s9 =	sadd.s32 s7, s16;
	[sflag:s22] =	ssyncadd.s32 $0xFFFFFFB0  }
0x50: {  	[tilespmem:s25], [sflag:$0x3] =	stream.linear.gather [hbm4b:s9+s5], $0x50, $0x38;
	[tilespmem:$0x19378] =	vst v63  }
0x51: {  	_ =	swait.ge [sflag:s22], $0x50  }
0x52: {  	[sflag:s22] =	ssyncset.done $0x0  }
0x53: {  	[sflag:s22] =	ssyncadd.s32 $0xFFFFFFB0  }
0x54: {  	[tilespmem:s28], [sflag:$0x1] =	stream.indirect.gather [hbm4b:s1+s26], $0x80, s5, s26, $0xb8;
	[tilespmem:$0x19378] =	vst v63  }
0x55: {  	_ =	swait.ge [sflag:s4], $0x2800  }
0x56: {  	[sflag:s4] =	ssyncset.done $0x0  }
0x57: {  	[sflag:s4] =	ssyncadd.s32 $0xFFFFD800  }
0x58: {  	[spmem:s2] =	stream.indirect.scatter.add.f32 [tilespmem:s31], [sflag:$0x3], $0x80, s30, s26, $0xb8;
	[tilespmem:$0x19378] =	vst v63  }
0x59: {  	_ =	swait.ge [sflag:s22], $0x2800  }
0x5a: {  	[sflag:s22] =	ssyncset.done $0x0  }
0x5b: {  	[sflag:s22] =	ssyncadd.s32 $0xFFFFD800  }
0x5c: {  	[spmem:s3] =	stream.indirect.scatter.add.f32 [tilespmem:s24], [sflag:$0x3], $0x1, s30, s26, $0xb8;
	[tilespmem:$0x19378] =	vst v63  }
0x5d: {  	s13 =	simm.s32 $0x28;
	_ =	swait.ge [sflag:s22], $0x50  }
0x5e: {  	s10 =	simm.s32 $0x14;
	s9 =	sadd.s32 $0xA0, s18;
	[sflag:s22] =	ssyncset.done $0x0  }
.LBB2_2:
0x5f: {  	s15 =	sadd.s32 s10, s20  }
0x60: {  	[sflag:s22] =	ssyncadd.s32 $0xFFFFFFB0;
	s16 =	smov.u32 s13;
	s14 =	sadd.s32 $0x14, s13  }
0x61: {  	[tilespmem:s29], [sflag:$0x3] =	stream.linear.gather [hbm4b:s15+s5], $0x50, $0x38;
	[tilespmem:$0x19378] =	vst v63  }
0x62: {  	p0 =	sne.s32 s13, $0x4C4;
	_ =	swait.ge [sflag:s22], $0x50  }
0x63: {  	[sflag:s22] =	ssyncset.done $0x0  }
0x64: {  	s13 =	sadd.s32 s10, s19;
	s10 =	smov.u32 s16;
	[sflag:s22] =	ssyncadd.s32 $0xFFFFFFB0  }
0x65: {  	[tilespmem:s30], [sflag:$0x3] =	stream.linear.gather [hbm4b:s13+s5], $0x50, $0x38;
	[tilespmem:$0x19378] =	vst v63  }
0x66: {  	_ =	swait.ge [sflag:s22], $0x50  }
0x67: {  	[sflag:s22] =	ssyncset.done $0x0  }
0x68: {  	[sflag:s22] =	ssyncadd.s32 $0xFFFFFFB0  }
0x69: {  	[tilespmem:s31], [sflag:$0x2] =	stream.indirect.gather [hbm4b:s1+s26], $0x80, s29, s26, $0xb8;
	[tilespmem:$0x19378] =	vst v63  }
0x6a: {  	_ =	swait.ge [sflag:s0], $0x2800  }
0x6b: {  	[sflag:s0] =	ssyncset.done $0x0  }
0x6c: {  	[sflag:s0] =	ssyncadd.s32 $0xFFFFD800  }
0x6d: {  	[spmem:s2] =	stream.indirect.scatter.add.f32 [tilespmem:s28], [sflag:$0x3], $0x80, s25, s26, $0xb8;
	[tilespmem:$0x19378] =	vst v63  }
0x6e: {  	_ =	swait.ge [sflag:s22], $0x2800  }
0x6f: {  	[sflag:s22] =	ssyncset.done $0x0  }
0x70: {  	[sflag:s22] =	ssyncadd.s32 $0xFFFFD800  }
0x71: {  	[spmem:s3] =	stream.indirect.scatter.add.f32 [tilespmem:s24], [sflag:$0x3], $0x1, s25, s26, $0xb8;
	[tilespmem:$0x19378] =	vst v63  }
0x72: {  	_ =	swait.ge [sflag:s22], $0x50  }
0x73: {  	s13 =	sshrl.u32 s9, $0x3;
	[sflag:s22] =	ssyncset.done $0x0  }
0x74: {  	s15 =	sadd.s32 s6, s13;
	[sflag:s22] =	ssyncadd.s32 $0xFFFFFFB0  }
0x75: {  	[tilespmem:s5], [sflag:$0x3] =	stream.linear.gather [hbm4b:s15+s5], $0x50, $0x38;
	[tilespmem:$0x19378] =	vst v63  }
0x76: {  	_ =	swait.ge [sflag:s22], $0x50  }
0x77: {  	[sflag:s22] =	ssyncset.done $0x0  }
0x78: {  	s13 =	sadd.s32 s7, s13;
	[sflag:s22] =	ssyncadd.s32 $0xFFFFFFB0  }
0x79: {  	[tilespmem:s25], [sflag:$0x3] =	stream.linear.gather [hbm4b:s13+s5], $0x50, $0x38;
	[tilespmem:$0x19378] =	vst v63  }
0x7a: {  	_ =	swait.ge [sflag:s22], $0x50  }
0x7b: {  	[sflag:s22] =	ssyncset.done $0x0  }
0x7c: {  	[sflag:s22] =	ssyncadd.s32 $0xFFFFFFB0  }
0x7d: {  	[tilespmem:s28], [sflag:$0x1] =	stream.indirect.gather [hbm4b:s1+s26], $0x80, s5, s26, $0xb8;
	[tilespmem:$0x19378] =	vst v63  }
0x7e: {  	_ =	swait.ge [sflag:s4], $0x2800  }
0x7f: {  	[sflag:s4] =	ssyncset.done $0x0  }
0x80: {  	[sflag:s4] =	ssyncadd.s32 $0xFFFFD800  }
0x81: {  	[spmem:s2] =	stream.indirect.scatter.add.f32 [tilespmem:s31], [sflag:$0x3], $0x80, s30, s26, $0xb8;
	[tilespmem:$0x19378] =	vst v63  }
0x82: {  	_ =	swait.ge [sflag:s22], $0x2800  }
.Ltmp0:
0x83: {  	[sflag:s22] =	ssyncset.done $0x0;
	(pc) =	sbr.rel @p0 .LBB2_2-.Ltmp0, $4  }
0x84: {  	[sflag:s22] =	ssyncadd.s32 $0xFFFFD800  }
0x85: {  	[spmem:s3] =	stream.indirect.scatter.add.f32 [tilespmem:s24], [sflag:$0x3], $0x1, s30, s26, $0xb8;
	[tilespmem:$0x19378] =	vst v63  }
0x86: {  	_ =	swait.ge [sflag:s22], $0x50  }
0x87: {  	s9 =	sadd.s32 $0xA0, s9;
	s13 =	smov.u32 s14;
	[sflag:s22] =	ssyncset.done $0x0  }
0x88: {  	s13 =	sadd.s32 s10, s20;
	[sflag:s22] =	ssyncadd.s32 $0xFFFFFFB0  }
0x89: {  	[tilespmem:s29], [sflag:$0x3] =	stream.linear.gather [hbm4b:s13+s5], $0x50, $0x38;
	[tilespmem:$0x19378] =	vst v63  }
0x8a: {  	_ =	swait.ge [sflag:s22], $0x50  }
0x8b: {  	[sflag:s22] =	ssyncset.done $0x0  }
0x8c: {  	s13 =	sadd.s32 s10, s19;
	[sflag:s22] =	ssyncadd.s32 $0xFFFFFFB0  }
0x8d: {  	[tilespmem:s30], [sflag:$0x3] =	stream.linear.gather [hbm4b:s13+s5], $0x50, $0x38;
	[tilespmem:$0x19378] =	vst v63  }
0x8e: {  	_ =	swait.ge [sflag:s22], $0x50  }
0x8f: {  	[sflag:s22] =	ssyncset.done $0x0  }
0x90: {  	[sflag:s22] =	ssyncadd.s32 $0xFFFFFFB0  }
0x91: {  	[tilespmem:s31], [sflag:$0x2] =	stream.indirect.gather [hbm4b:s1+s26], $0x80, s29, s26, $0xb8;
	[tilespmem:$0x19378] =	vst v63  }
0x92: {  	_ =	swait.ge [sflag:s0], $0x2800  }
0x93: {  	[sflag:s0] =	ssyncset.done $0x0  }
0x94: {  	[sflag:s0] =	ssyncadd.s32 $0xFFFFD800  }
0x95: {  	[spmem:s2] =	stream.indirect.scatter.add.f32 [tilespmem:s28], [sflag:$0x3], $0x80, s25, s26, $0xb8;
	[tilespmem:$0x19378] =	vst v63  }
0x96: {  	_ =	swait.ge [sflag:s22], $0x2800  }
0x97: {  	[sflag:s22] =	ssyncset.done $0x0  }
0x98: {  	[sflag:s22] =	ssyncadd.s32 $0xFFFFD800  }
0x99: {  	[spmem:s3] =	stream.indirect.scatter.add.f32 [tilespmem:s24], [sflag:$0x3], $0x1, s25, s26, $0xb8;
	[tilespmem:$0x19378] =	vst v63  }
0x9a: {  	_ =	swait.ge [sflag:s22], $0x50  }
0x9b: {  	s9 =	sshrl.u32 s9, $0x3;
	[sflag:s22] =	ssyncset.done $0x0  }
0x9c: {  	s14 =	sadd.s32 s6, s9;
	[sflag:s22] =	ssyncadd.s32 $0xFFFFFFB0  }
0x9d: {  	[tilespmem:s5], [sflag:$0x3] =	stream.linear.gather [hbm4b:s14+s5], $0x50, $0x38;
	[tilespmem:$0x19378] =	vst v63  }
0x9e: {  	_ =	swait.ge [sflag:s22], $0x50  }
0x9f: {  	[sflag:s22] =	ssyncset.done $0x0  }
0xa0: {  	s9 =	sadd.s32 s7, s9;
	[sflag:s22] =	ssyncadd.s32 $0xFFFFFFB0  }
0xa1: {  	[tilespmem:s25], [sflag:$0x3] =	stream.linear.gather [hbm4b:s9+s5], $0x50, $0x38;
	[tilespmem:$0x19378] =	vst v63  }
0xa2: {  	_ =	swait.ge [sflag:s22], $0x50  }
0xa3: {  	[sflag:s22] =	ssyncset.done $0x0  }
0xa4: {  	[sflag:s22] =	ssyncadd.s32 $0xFFFFFFB0  }
0xa5: {  	[tilespmem:s28], [sflag:$0x1] =	stream.indirect.gather [hbm4b:s1+s26], $0x80, s5, s26, $0xb8;
	[tilespmem:$0x19378] =	vst v63  }
0xa6: {  	_ =	swait.ge [sflag:s4], $0x2800  }
0xa7: {  	[sflag:s4] =	ssyncset.done $0x0  }
0xa8: {  	[sflag:s4] =	ssyncadd.s32 $0xFFFFD800  }
0xa9: {  	[spmem:s2] =	stream.indirect.scatter.add.f32 [tilespmem:s31], [sflag:$0x3], $0x80, s30, s26, $0xb8;
	[tilespmem:$0x19378] =	vst v63  }
0xaa: {  	_ =	swait.ge [sflag:s22], $0x2800  }
0xab: {  	[sflag:s22] =	ssyncset.done $0x0  }
0xac: {  	[sflag:s22] =	ssyncadd.s32 $0xFFFFD800  }
0xad: {  	[spmem:s3] =	stream.indirect.scatter.add.f32 [tilespmem:s24], [sflag:$0x3], $0x1, s30, s26, $0xb8;
	[tilespmem:$0x19378] =	vst v63  }
0xae: {  	_ =	swait.ge [sflag:s22], $0x50  }
0xaf: {  	[sflag:s22] =	ssyncset.done $0x0  }
0xb0: {  	[sflag:s22] =	ssyncadd.s32 $0xFFFFFFB0  }
0xb1: {  	_ =	swait.ge [sflag:s0], $0x2800  }
0xb2: {  	[sflag:s0] =	ssyncset.done $0x0  }
0xb3: {  	[sflag:s0] =	ssyncadd.s32 $0xFFFFD800  }
0xb4: {  	[spmem:s2] =	stream.indirect.scatter.add.f32 [tilespmem:s28], [sflag:$0x3], $0x80, s25, s26, $0xb8;
	[tilespmem:$0x19378] =	vst v63  }
0xb5: {  	_ =	swait.ge [sflag:s22], $0x2800  }
0xb6: {  	[sflag:s22] =	ssyncset.done $0x0  }
0xb7: {  	[sflag:s22] =	ssyncadd.s32 $0xFFFFD800  }
0xb8: {  	[spmem:s3] =	stream.indirect.scatter.add.f32 [tilespmem:s24], [sflag:$0x3], $0x1, s25, s26, $0xb8;
	[tilespmem:$0x19378] =	vst v63  }
0xb9: {  	_ =	swait.ge [sflag:s22], $0x50  }
0xba: {  	[sflag:s22] =	ssyncset.done $0x0  }
0xbb: {  	[sflag:s22] =	ssyncadd.s32 $0xFFFFFFB0  }
0xbc: {  	[bflag:$0x0] =	sbarrier.arrive $0xFFFF  }
0xbd: {  	s15 =	rddreg [dreg:$0xa]  }
0xbe: {  	[hbm:s15], [sflag:s11] =	dma.local [spmem:s21], $0x2780  }
0xbf: {  	_ =	swait.ge [sflag:s22], $0x2780  }
0xc0: {  	[sflag:s22] =	ssyncset.done $0x0  }
0xc1: {  	[sflag:s22] =	ssyncadd.s32 $0xFFFFD880  }
0xc2: {  	[tilespmem:s23], [sflag:$0x3] =	stream.linear.gather [spmem:s12], $0x278, $0x38;
	[tilespmem:$0x19378] =	vst v63  }
0xc3: {  	s8 =	sadd.s32 $0x1, s8;
	_ =	swait.ge [sflag:s22], $0x278  }
0xc4: {  	p0 =	sne.s32 s8, s17;
	[sflag:s22] =	ssyncset.done $0x0  }
.Ltmp1:
0xc5: {  	s16 =	rddreg [dreg:$0xb];
	[sflag:s22] =	ssyncadd.s32 $0xFFFFFD88;
	(pc) =	sbr.rel @p0 .LBB2_1-.Ltmp1, $4  }
0xc6: {  	[hbm4b:s16+s5] =	stream.linear.scatter [tilespmem:s23], [sflag:$0x3], $0x278, $0x38;
	[tilespmem:$0x19378] =	vst v63  }
0xc7: {  	_ =	swait.ge [sflag:s22], $0x278  }
0xc8: {  	[sflag:s22] =	ssyncset.done $0x0  }
0xc9: {  	[sflag:s22] =	ssyncadd.s32 $0xFFFFFD88  }
0xca: {  	_ =	sfence.sel $0x180000  }
0xcb: {  	[bflag:$0x0] =	sbarrier.arrive $0xFFFF  }
0xcc: {  	_ =	strace $0x90000047  }
0xcd: {  	s0 =	stileid.u32;
	[bflag:$0x2] =	sbarrier.arrive $0xFFFF  }
0xce: {  	p0 =	sne.s32 s0, $0x0;
	s0 =	rddreg [dreg:$0x4]  }
0xcf: {  	s0 =	sadd.s32 @!p0 $0x100000, s0  }
0xd0: {  	[sflag:s0] =	ssyncadd.tile.s32 @!p0 $0x1;
	_ =	shalt  }
.Lfunc_end2:
_tile_overlayer_lowered:
.L_overlay_start_2:
0xd1: {  	(tag) =	ssettag $0x2  }
0xd2: {  	s0 =	rddreg [dreg:$0x0];
	s2 =	stileid.u32  }
0xd3: {  	s1 =	rddreg [dreg:$0x1];
	p0 =	sne.s32 s2, $0x0  }
0xd4: {  	s3 =	rddreg [dreg:$0x2];
	[bflag:$0x3] =	sbarrier.arrive $0xFFFF;
	s2 =	simm.s32 @!p0 $0x1C03  }
0xd5: {  	[timem:s3], [sflag:s2] =	dma.local @!p0 [hbm:s0], s1  }
0xd6: {  	s0 =	simm.s32 @!p0 $0x3  }
0xd7: {  	_ =	swait.ge @!p0 [sflag:s0], s1  }
0xd8: {  	s1 =	ssub.s32 @!p0 $0x0, s1;
	[sflag:s0] =	ssyncset.done @!p0 $0x0  }
0xd9: {  	[sflag:s0] =	ssyncadd.s32 @!p0 s1  }
0xda: {  	[bflag:$0x3] =	sbarrier.arrive $0xFFFF  }
0xdb: {  	_ =	shalt  }

</sc_bundles>
